<compile_context>
chip_gen: v7x
topology: tpu7x:2x2x1
jax: 0.10.2.dev20260603
libtpu: 0.0.44.dev20260713+nightly
codegen_flags: <defaults>
</compile_context>

<pallas_src>
import functools

import jax
import jax.numpy as jnp
from jax import lax
from jax.experimental import pallas as pl
from jax.experimental.pallas import tpu as pltpu
from jax.experimental.pallas import tpu_sc as plsc

N = 8192
K = 8192
H = 32
TOK = 1024
NB = N // TOK

CH = 128


CHUNK = 2048


def _tc_body(z_ref, emb_ref, idx_ref, loss_ref, esq_ref):
    i = pl.program_id(0)
    zb = z_ref[...]
    em = emb_ref[...]

    @pl.when(i == 0)
    def _():
        ones = jnp.ones((1, H), jnp.float32)
        esq_ref[...] = lax.dot_general(
            ones, em * em, (((1,), (1,)), ((), ())),
            preferred_element_type=jnp.float32,
            precision=lax.Precision.HIGHEST)

    zm2 = (zb * -2.0).astype(jnp.bfloat16)
    zsq = jnp.sum(zb * zb, axis=1, keepdims=True)
    lane = lax.broadcasted_iota(jnp.int32, (TOK, CHUNK), 1).astype(jnp.float32)

    acc = jnp.full((TOK, 1), jnp.inf, jnp.float32)
    raw = jnp.zeros((TOK, 1), jnp.float32)
    idx = jnp.zeros((TOK, 1), jnp.float32)
    for k in range(K // CHUNK):
        emk = lax.slice_in_dim(em, k * CHUNK, (k + 1) * CHUNK, axis=0)
        gk = lax.dot_general(zm2, emk, (((1,), (1,)), ((), ())),
                             preferred_element_type=jnp.float32)
        esk = esq_ref[:, k * CHUNK:(k + 1) * CHUNK]
        blk = (zsq + gk) + esk
        mk = jnp.min(blk, axis=1, keepdims=True)
        ik = jnp.min(jnp.where(blk == mk, lane, jnp.float32(K)),
                     axis=1, keepdims=True) + jnp.float32(k * CHUNK)
        upd = mk < acc
        acc = jnp.where(upd, mk.astype(jnp.bfloat16).astype(jnp.float32), acc)
        raw = jnp.where(upd, mk, raw)
        idx = jnp.where(upd, ik, idx)
    idx_ref[...] = idx.astype(jnp.int32)[None]

    @pl.when(i == 0)
    def _():
        loss_ref[0] = 0.0

    loss_ref[0] += jnp.sum(raw)


@functools.cache
def _make_tc_call(nb):
    return pl.pallas_call(
        _tc_body,
        grid=(nb,),
        in_specs=[
            pl.BlockSpec((TOK, H), lambda i: (i, 0)),
            pl.BlockSpec((K, H), lambda i: (0, 0)),
        ],
        out_specs=[
            pl.BlockSpec((1, TOK, 1), lambda i: (i, 0, 0)),
            pl.BlockSpec(block_shape=(1,), index_map=lambda i: (0,),
                         memory_space=pltpu.SMEM),
        ],
        out_shape=[
            jax.ShapeDtypeStruct((nb, TOK, 1), jnp.int32),
            jax.ShapeDtypeStruct((1,), jnp.float32),
        ],
        scratch_shapes=[pltpu.VMEM((1, K), jnp.float32)],
    )


@functools.cache
def _make_sc_gather(n):
    info = plsc.get_sparse_core_info()
    nc = info.num_cores
    nw = nc * info.num_subcores
    bpw = n // nw
    nch = max(1, bpw // CH)
    ch = bpw // nch

    def body(emb_hbm, idx_hbm, out_hbm, idx_v, rows_v, sem):
        wid = lax.axis_index("s") * nc + lax.axis_index("c")
        base = wid * bpw
        for j in range(nch):
            pltpu.sync_copy(idx_hbm.at[pl.ds(base + j * ch, ch)], idx_v.at[j])
            pltpu.async_copy(emb_hbm.at[idx_v.at[j]],
                             rows_v.at[pl.ds(j * ch, ch)], sem).wait()
        pltpu.sync_copy(rows_v, out_hbm.at[pl.ds(base, bpw)])

    return pl.kernel(
        body,
        out_type=jax.ShapeDtypeStruct((n, H), jnp.float32),
        mesh=plsc.VectorSubcoreMesh(core_axis_name="c", subcore_axis_name="s"),
        scratch_types=[
            pltpu.VMEM((nch, ch), jnp.int32),
            pltpu.VMEM((bpw, H), jnp.float32),
            pltpu.SemaphoreType.DMA,
        ],
        compiler_params=pltpu.CompilerParams(use_tc_tiling_on_sc=False),
    )


HALF = N // 2


def kernel(z, emb):
    b, t, h = z.shape
    flat = z.reshape(b * t, h)
    tc = _make_tc_call(HALF // TOK)
    sc = _make_sc_gather(HALF)
    idxa3, lossa = tc(flat[:HALF], emb)
    idxa = idxa3.reshape(HALF)
    zqa = sc(emb, idxa)
    idxb3, lossb = tc(flat[HALF:], emb)
    idxb = idxb3.reshape(HALF)
    zqb = sc(emb, idxb)
    idx = jnp.concatenate([idxa, idxb])
    z_q = jnp.concatenate([zqa, zqb])
    loss = (lossa[0] + lossb[0]) / jnp.float32(b * t * h)
    return (z_q.reshape(b, t, h), idx.reshape(b, t), loss, loss)

# --- scband reference (transcript-rebuilt; emitter-appended) ---
"""Pipeline reference for scband-boolean-anchor-table-4681514352961 (READ-ONLY COPY).

The authoritative reference and input builder live on the scoring server;
editing this copy changes nothing except your own understanding.
"""

import jax, jax.numpy as jnp
import numpy as np

CODEBOOK_SIZE = 8192
HIDDEN_SIZE = 32


def _make_emb(key):
    emb = jax.random.normal(key, (CODEBOOK_SIZE, HIDDEN_SIZE), dtype=jnp.float32) * 0.02
    anchors = jnp.zeros((5, HIDDEN_SIZE), dtype=jnp.float32)
    eye = jnp.eye(min(5, HIDDEN_SIZE), dtype=jnp.float32)
    anchors = anchors.at[:, : eye.shape[1]].set(eye)
    emb = emb.at[:5, :].set(anchors)
    return emb


def setup_inputs(seed: int = 0) -> dict:
    key = jax.random.key(seed)
    k1, k2 = jax.random.split(key)
    z = jax.random.normal(k1, (8, 1024, HIDDEN_SIZE), dtype=jnp.float32)
    emb = _make_emb(k2)
    return {"z": z, "emb": emb}


def reference(z, emb):
    b, t, h = z.shape
    flat = z.reshape(b * t, h)
    dist = (
        jnp.sum(flat * flat, axis=1, keepdims=True)
        - 2.0 * (flat @ emb.T)
        + jnp.sum(emb * emb, axis=1, keepdims=True).T
    )
    idx = jnp.argmin(dist, axis=1)
    z_q = jnp.take(emb, idx, axis=0).reshape(b, t, h)
    z_st = z + jax.lax.stop_gradient(z_q - z)
    codebook_loss = jnp.mean((z_q - jax.lax.stop_gradient(z)) ** 2)
    commit_loss = jnp.mean((z - jax.lax.stop_gradient(z_q)) ** 2)
    return (z_st, idx.reshape(b, t), codebook_loss, commit_loss)

if __name__ == "__main__":
    import jax
    _d = setup_inputs()
    print(jax.jit(kernel)(*tuple(_d.values())))

</pallas_src>

<mosaic_0001>
#map = affine_map<(d0, d1) -> (0, 0)>
#map1 = affine_map<(d0, d1) -> (0)>
module attributes {stable_mosaic.version = 14 : i64} {
  func.func @body(%arg0: i32, %arg1: i32, %arg2: memref<8192x32xf32, #tpu.memory_space<hbm>>, %arg3: memref<4096xi32, #tpu.memory_space<hbm>>, %arg4: memref<4096x32xf32, #tpu.memory_space<hbm>>, %arg5: memref<1x128xi32, #tpu.memory_space<vmem>>, %arg6: memref<128x32xf32, #tpu.memory_space<vmem>>, %arg7: memref<!tpu.dma_semaphore, #tpu.memory_space<semaphore_mem>>) attributes {dimension_semantics = [#tpu.dimension_semantics<core_parallel>, #tpu.dimension_semantics<subcore_parallel>], iteration_bounds = array<i64: 2, 16>, scalar_prefetch = 0 : i64, scratch_operands = 3 : i64, tpu.core_type = #tpu.core_type<sc_vector_subcore>, window_params = [{transform_indices = #map}, {transform_indices = #map1}, {transform_indices = #map}]} {
    %mul3A = arith.constant 2 : i32
    %mul3A_0 = arith.muli %arg1, %mul3A : i32
    %add3A = arith.addi %mul3A_0, %arg0 : i32
    %mul3A_1 = arith.constant 128 : i32
    %mul3A_2 = arith.muli %add3A, %mul3A_1 : i32
    %add3A_3 = arith.constant 0 : i32
    %add3A_4 = arith.addi %mul3A_2, %add3A_3 : i32
    %run_scoped3A = arith.constant 0 : i32
    "tpu.region"() ({
      %run_scoped3A_23 = tpu.sem_alloc : memref<!tpu.dma_semaphore, #tpu.memory_space<semaphore_mem>>
      %dma_start3A_24 = arith.constant 0 : i32
      %dma_start3A_25 = tpu.memref_slice %arg5[%run_scoped3A, %dma_start3A_24] : memref<1x128xi32, #tpu.memory_space<vmem>> -> memref<1x128xi32, #tpu.memory_space<vmem>>
      %dma_start3A_26 = tpu.memref_squeeze %dma_start3A_25 : memref<1x128xi32, #tpu.memory_space<vmem>> -> memref<128xi32, #tpu.memory_space<vmem>>
      %dma_start3A_27 = tpu.memref_slice %arg3[%add3A_4] : memref<4096xi32, #tpu.memory_space<hbm>> -> memref<128xi32, #tpu.memory_space<hbm>>
      %dma_start3A_28 = arith.constant 0 : i32
      %dma_start3A_29 = tpu.memref_slice %arg5[%run_scoped3A, %dma_start3A_28] : memref<1x128xi32, #tpu.memory_space<vmem>> -> memref<1x128xi32, #tpu.memory_space<vmem>>
      %dma_start3A_30 = tpu.memref_squeeze %dma_start3A_29 : memref<1x128xi32, #tpu.memory_space<vmem>> -> memref<128xi32, #tpu.memory_space<vmem>>
      %dma_start3A_31 = tpu.memref_slice %arg3[%add3A_4] : memref<4096xi32, #tpu.memory_space<hbm>> -> memref<128xi32, #tpu.memory_space<hbm>>
      tpu.enqueue_dma source(%dma_start3A_31 : memref<128xi32, #tpu.memory_space<hbm>>) target(%dma_start3A_30 : memref<128xi32, #tpu.memory_space<vmem>>) target_semaphore(%run_scoped3A_23 : memref<!tpu.dma_semaphore, #tpu.memory_space<semaphore_mem>>)
      %dma_wait3A_32 = arith.constant 0 : i32
      %dma_wait3A_33 = tpu.memref_slice %arg5[%run_scoped3A, %dma_wait3A_32] : memref<1x128xi32, #tpu.memory_space<vmem>> -> memref<1x128xi32, #tpu.memory_space<vmem>>
      %dma_wait3A_34 = tpu.memref_squeeze %dma_wait3A_33 : memref<1x128xi32, #tpu.memory_space<vmem>> -> memref<128xi32, #tpu.memory_space<vmem>>
      %dma_wait3A_35 = tpu.memref_slice %arg3[%add3A_4] : memref<4096xi32, #tpu.memory_space<hbm>> -> memref<128xi32, #tpu.memory_space<hbm>>
      %dma_wait3A_36 = arith.constant 0 : i32
      %dma_wait3A_37 = tpu.memref_slice %arg5[%run_scoped3A, %dma_wait3A_36] : memref<1x128xi32, #tpu.memory_space<vmem>> -> memref<1x128xi32, #tpu.memory_space<vmem>>
      %dma_wait3A_38 = tpu.memref_squeeze %dma_wait3A_37 : memref<1x128xi32, #tpu.memory_space<vmem>> -> memref<128xi32, #tpu.memory_space<vmem>>
      %dma_wait3A_39 = tpu.memref_slice %arg3[%add3A_4] : memref<4096xi32, #tpu.memory_space<hbm>> -> memref<128xi32, #tpu.memory_space<hbm>>
      tpu.wait_dma2 semaphore(%run_scoped3A_23 : memref<!tpu.dma_semaphore, #tpu.memory_space<semaphore_mem>>) src(%dma_wait3A_39 : memref<128xi32, #tpu.memory_space<hbm>>) dst(%dma_wait3A_38 : memref<128xi32, #tpu.memory_space<vmem>>)
      tpu.yield
    }) : () -> ()
    %dma_start3A = arith.constant 0 : i32
    %dma_start3A_5 = arith.constant 0 : i32
    %dma_start3A_6 = arith.constant 0 : i32
    %dma_start3A_7 = tpu.memref_slice %arg6[%dma_start3A_5, %dma_start3A_6] : memref<128x32xf32, #tpu.memory_space<vmem>> -> memref<128x32xf32, #tpu.memory_space<vmem>>
    %dma_start3A_8 = arith.constant 0 : i32
    %dma_start3A_9 = tpu.memref_slice %arg5[%dma_start3A, %dma_start3A_8] : memref<1x128xi32, #tpu.memory_space<vmem>> -> memref<1x128xi32, #tpu.memory_space<vmem>>
    %dma_start3A_10 = tpu.memref_squeeze %dma_start3A_9 : memref<1x128xi32, #tpu.memory_space<vmem>> -> memref<128xi32, #tpu.memory_space<vmem>>
    %dma_start3A_11 = arith.constant 0 : i32
    %dma_start3A_12 = arith.constant 0 : i32
    %dma_start3A_13 = tpu.memref_slice %arg2[%dma_start3A_11, %dma_start3A_12] : memref<8192x32xf32, #tpu.memory_space<hbm>> -> memref<8192x32xf32, #tpu.memory_space<hbm>>
    tpu.enqueue_indirect_dma source(%dma_start3A_13 : memref<8192x32xf32, #tpu.memory_space<hbm>>) target(%dma_start3A_7 : memref<128x32xf32, #tpu.memory_space<vmem>>) offsets(%dma_start3A_10 : memref<128xi32, #tpu.memory_space<vmem>>) semaphore(%arg7 : memref<!tpu.dma_semaphore, #tpu.memory_space<semaphore_mem>>)
    %dma_wait3A = arith.constant 0 : i32
    %dma_wait3A_14 = arith.constant 0 : i32
    %dma_wait3A_15 = arith.constant 0 : i32
    %dma_wait3A_16 = tpu.memref_slice %arg6[%dma_wait3A_14, %dma_wait3A_15] : memref<128x32xf32, #tpu.memory_space<vmem>> -> memref<128x32xf32, #tpu.memory_space<vmem>>
    %dma_wait3A_17 = arith.constant 0 : i32
    %dma_wait3A_18 = tpu.memref_slice %arg5[%dma_wait3A, %dma_wait3A_17] : memref<1x128xi32, #tpu.memory_space<vmem>> -> memref<1x128xi32, #tpu.memory_space<vmem>>
    %dma_wait3A_19 = tpu.memref_squeeze %dma_wait3A_18 : memref<1x128xi32, #tpu.memory_space<vmem>> -> memref<128xi32, #tpu.memory_space<vmem>>
    %dma_wait3A_20 = arith.constant 0 : i32
    %dma_wait3A_21 = arith.constant 0 : i32
    %dma_wait3A_22 = tpu.memref_slice %arg2[%dma_wait3A_20, %dma_wait3A_21] : memref<8192x32xf32, #tpu.memory_space<hbm>> -> memref<8192x32xf32, #tpu.memory_space<hbm>>
    tpu.wait_indirect_dma semaphore(%arg7 : memref<!tpu.dma_semaphore, #tpu.memory_space<semaphore_mem>>) src(%dma_wait3A_22 : memref<8192x32xf32, #tpu.memory_space<hbm>>) dst(%dma_wait3A_16 : memref<128x32xf32, #tpu.memory_space<vmem>>)
    "tpu.region"() ({
      %run_scoped3A_23 = tpu.sem_alloc : memref<!tpu.dma_semaphore, #tpu.memory_space<semaphore_mem>>
      %dma_start3A_24 = arith.constant 0 : i32
      %dma_start3A_25 = tpu.memref_slice %arg4[%mul3A_2, %dma_start3A_24] : memref<4096x32xf32, #tpu.memory_space<hbm>> -> memref<128x32xf32, #tpu.memory_space<hbm>>
      %dma_start3A_26 = arith.constant 0 : i32
      %dma_start3A_27 = tpu.memref_slice %arg4[%mul3A_2, %dma_start3A_26] : memref<4096x32xf32, #tpu.memory_space<hbm>> -> memref<128x32xf32, #tpu.memory_space<hbm>>
      tpu.enqueue_dma source(%arg6 : memref<128x32xf32, #tpu.memory_space<vmem>>) target(%dma_start3A_27 : memref<128x32xf32, #tpu.memory_space<hbm>>) target_semaphore(%run_scoped3A_23 : memref<!tpu.dma_semaphore, #tpu.memory_space<semaphore_mem>>)
      %dma_wait3A_28 = arith.constant 0 : i32
      %dma_wait3A_29 = tpu.memref_slice %arg4[%mul3A_2, %dma_wait3A_28] : memref<4096x32xf32, #tpu.memory_space<hbm>> -> memref<128x32xf32, #tpu.memory_space<hbm>>
      %dma_wait3A_30 = arith.constant 0 : i32
      %dma_wait3A_31 = tpu.memref_slice %arg4[%mul3A_2, %dma_wait3A_30] : memref<4096x32xf32, #tpu.memory_space<hbm>> -> memref<128x32xf32, #tpu.memory_space<hbm>>
      tpu.wait_dma2 semaphore(%run_scoped3A_23 : memref<!tpu.dma_semaphore, #tpu.memory_space<semaphore_mem>>) src(%arg6 : memref<128x32xf32, #tpu.memory_space<vmem>>) dst(%dma_wait3A_31 : memref<128x32xf32, #tpu.memory_space<hbm>>)
      tpu.yield
    }) : () -> ()
    return
  }
}

#map = affine_map<(d0, d1) -> (0, 0)>
#map1 = affine_map<(d0, d1) -> (0)>
module attributes {stable_mosaic.version = 14 : i64} {
  func.func @body(%arg0: i32, %arg1: i32, %arg2: memref<8192x32xf32, #tpu.memory_space<hbm>>, %arg3: memref<4096xi32, #tpu.memory_space<hbm>>, %arg4: memref<4096x32xf32, #tpu.memory_space<hbm>>, %arg5: memref<1x128xi32, #tpu.memory_space<vmem>>, %arg6: memref<128x32xf32, #tpu.memory_space<vmem>>, %arg7: memref<!tpu.dma_semaphore, #tpu.memory_space<semaphore_mem>>) attributes {dimension_semantics = [#tpu.dimension_semantics<core_parallel>, #tpu.dimension_semantics<subcore_parallel>], iteration_bounds = array<i64: 2, 16>, scalar_prefetch = 0 : i64, scratch_operands = 3 : i64, tpu.core_type = #tpu.core_type<sc_vector_subcore>, window_params = [{transform_indices = #map}, {transform_indices = #map1}, {transform_indices = #map}]} {
    %mul3A = arith.constant 2 : i32
    %mul3A_0 = arith.muli %arg1, %mul3A : i32
    %add3A = arith.addi %mul3A_0, %arg0 : i32
    %mul3A_1 = arith.constant 128 : i32
    %mul3A_2 = arith.muli %add3A, %mul3A_1 : i32
    %add3A_3 = arith.constant 0 : i32
    %add3A_4 = arith.addi %mul3A_2, %add3A_3 : i32
    %run_scoped3A = arith.constant 0 : i32
    "tpu.region"() ({
      %run_scoped3A_23 = tpu.sem_alloc : memref<!tpu.dma_semaphore, #tpu.memory_space<semaphore_mem>>
      %dma_start3A_24 = arith.constant 0 : i32
      %dma_start3A_25 = tpu.memref_slice %arg5[%run_scoped3A, %dma_start3A_24] : memref<1x128xi32, #tpu.memory_space<vmem>> -> memref<1x128xi32, #tpu.memory_space<vmem>>
      %dma_start3A_26 = tpu.memref_squeeze %dma_start3A_25 : memref<1x128xi32, #tpu.memory_space<vmem>> -> memref<128xi32, #tpu.memory_space<vmem>>
      %dma_start3A_27 = tpu.memref_slice %arg3[%add3A_4] : memref<4096xi32, #tpu.memory_space<hbm>> -> memref<128xi32, #tpu.memory_space<hbm>>
      %dma_start3A_28 = arith.constant 0 : i32
      %dma_start3A_29 = tpu.memref_slice %arg5[%run_scoped3A, %dma_start3A_28] : memref<1x128xi32, #tpu.memory_space<vmem>> -> memref<1x128xi32, #tpu.memory_space<vmem>>
      %dma_start3A_30 = tpu.memref_squeeze %dma_start3A_29 : memref<1x128xi32, #tpu.memory_space<vmem>> -> memref<128xi32, #tpu.memory_space<vmem>>
      %dma_start3A_31 = tpu.memref_slice %arg3[%add3A_4] : memref<4096xi32, #tpu.memory_space<hbm>> -> memref<128xi32, #tpu.memory_space<hbm>>
      tpu.enqueue_dma source(%dma_start3A_31 : memref<128xi32, #tpu.memory_space<hbm>>) target(%dma_start3A_30 : memref<128xi32, #tpu.memory_space<vmem>>) target_semaphore(%run_scoped3A_23 : memref<!tpu.dma_semaphore, #tpu.memory_space<semaphore_mem>>)
      %dma_wait3A_32 = arith.constant 0 : i32
      %dma_wait3A_33 = tpu.memref_slice %arg5[%run_scoped3A, %dma_wait3A_32] : memref<1x128xi32, #tpu.memory_space<vmem>> -> memref<1x128xi32, #tpu.memory_space<vmem>>
      %dma_wait3A_34 = tpu.memref_squeeze %dma_wait3A_33 : memref<1x128xi32, #tpu.memory_space<vmem>> -> memref<128xi32, #tpu.memory_space<vmem>>
      %dma_wait3A_35 = tpu.memref_slice %arg3[%add3A_4] : memref<4096xi32, #tpu.memory_space<hbm>> -> memref<128xi32, #tpu.memory_space<hbm>>
      %dma_wait3A_36 = arith.constant 0 : i32
      %dma_wait3A_37 = tpu.memref_slice %arg5[%run_scoped3A, %dma_wait3A_36] : memref<1x128xi32, #tpu.memory_space<vmem>> -> memref<1x128xi32, #tpu.memory_space<vmem>>
      %dma_wait3A_38 = tpu.memref_squeeze %dma_wait3A_37 : memref<1x128xi32, #tpu.memory_space<vmem>> -> memref<128xi32, #tpu.memory_space<vmem>>
      %dma_wait3A_39 = tpu.memref_slice %arg3[%add3A_4] : memref<4096xi32, #tpu.memory_space<hbm>> -> memref<128xi32, #tpu.memory_space<hbm>>
      tpu.wait_dma2 semaphore(%run_scoped3A_23 : memref<!tpu.dma_semaphore, #tpu.memory_space<semaphore_mem>>) src(%dma_wait3A_39 : memref<128xi32, #tpu.memory_space<hbm>>) dst(%dma_wait3A_38 : memref<128xi32, #tpu.memory_space<vmem>>)
      tpu.yield
    }) : () -> ()
    %dma_start3A = arith.constant 0 : i32
    %dma_start3A_5 = arith.constant 0 : i32
    %dma_start3A_6 = arith.constant 0 : i32
    %dma_start3A_7 = tpu.memref_slice %arg6[%dma_start3A_5, %dma_start3A_6] : memref<128x32xf32, #tpu.memory_space<vmem>> -> memref<128x32xf32, #tpu.memory_space<vmem>>
    %dma_start3A_8 = arith.constant 0 : i32
    %dma_start3A_9 = tpu.memref_slice %arg5[%dma_start3A, %dma_start3A_8] : memref<1x128xi32, #tpu.memory_space<vmem>> -> memref<1x128xi32, #tpu.memory_space<vmem>>
    %dma_start3A_10 = tpu.memref_squeeze %dma_start3A_9 : memref<1x128xi32, #tpu.memory_space<vmem>> -> memref<128xi32, #tpu.memory_space<vmem>>
    %dma_start3A_11 = arith.constant 0 : i32
    %dma_start3A_12 = arith.constant 0 : i32
    %dma_start3A_13 = tpu.memref_slice %arg2[%dma_start3A_11, %dma_start3A_12] : memref<8192x32xf32, #tpu.memory_space<hbm>> -> memref<8192x32xf32, #tpu.memory_space<hbm>>
    tpu.enqueue_indirect_dma source(%dma_start3A_13 : memref<8192x32xf32, #tpu.memory_space<hbm>>) target(%dma_start3A_7 : memref<128x32xf32, #tpu.memory_space<vmem>>) offsets(%dma_start3A_10 : memref<128xi32, #tpu.memory_space<vmem>>) semaphore(%arg7 : memref<!tpu.dma_semaphore, #tpu.memory_space<semaphore_mem>>)
    %dma_wait3A = arith.constant 0 : i32
    %dma_wait3A_14 = arith.constant 0 : i32
    %dma_wait3A_15 = arith.constant 0 : i32
    %dma_wait3A_16 = tpu.memref_slice %arg6[%dma_wait3A_14, %dma_wait3A_15] : memref<128x32xf32, #tpu.memory_space<vmem>> -> memref<128x32xf32, #tpu.memory_space<vmem>>
    %dma_wait3A_17 = arith.constant 0 : i32
    %dma_wait3A_18 = tpu.memref_slice %arg5[%dma_wait3A, %dma_wait3A_17] : memref<1x128xi32, #tpu.memory_space<vmem>> -> memref<1x128xi32, #tpu.memory_space<vmem>>
    %dma_wait3A_19 = tpu.memref_squeeze %dma_wait3A_18 : memref<1x128xi32, #tpu.memory_space<vmem>> -> memref<128xi32, #tpu.memory_space<vmem>>
    %dma_wait3A_20 = arith.constant 0 : i32
    %dma_wait3A_21 = arith.constant 0 : i32
    %dma_wait3A_22 = tpu.memref_slice %arg2[%dma_wait3A_20, %dma_wait3A_21] : memref<8192x32xf32, #tpu.memory_space<hbm>> -> memref<8192x32xf32, #tpu.memory_space<hbm>>
    tpu.wait_indirect_dma semaphore(%arg7 : memref<!tpu.dma_semaphore, #tpu.memory_space<semaphore_mem>>) src(%dma_wait3A_22 : memref<8192x32xf32, #tpu.memory_space<hbm>>) dst(%dma_wait3A_16 : memref<128x32xf32, #tpu.memory_space<vmem>>)
    "tpu.region"() ({
      %run_scoped3A_23 = tpu.sem_alloc : memref<!tpu.dma_semaphore, #tpu.memory_space<semaphore_mem>>
      %dma_start3A_24 = arith.constant 0 : i32
      %dma_start3A_25 = tpu.memref_slice %arg4[%mul3A_2, %dma_start3A_24] : memref<4096x32xf32, #tpu.memory_space<hbm>> -> memref<128x32xf32, #tpu.memory_space<hbm>>
      %dma_start3A_26 = arith.constant 0 : i32
      %dma_start3A_27 = tpu.memref_slice %arg4[%mul3A_2, %dma_start3A_26] : memref<4096x32xf32, #tpu.memory_space<hbm>> -> memref<128x32xf32, #tpu.memory_space<hbm>>
      tpu.enqueue_dma source(%arg6 : memref<128x32xf32, #tpu.memory_space<vmem>>) target(%dma_start3A_27 : memref<128x32xf32, #tpu.memory_space<hbm>>) target_semaphore(%run_scoped3A_23 : memref<!tpu.dma_semaphore, #tpu.memory_space<semaphore_mem>>)
      %dma_wait3A_28 = arith.constant 0 : i32
      %dma_wait3A_29 = tpu.memref_slice %arg4[%mul3A_2, %dma_wait3A_28] : memref<4096x32xf32, #tpu.memory_space<hbm>> -> memref<128x32xf32, #tpu.memory_space<hbm>>
      %dma_wait3A_30 = arith.constant 0 : i32
      %dma_wait3A_31 = tpu.memref_slice %arg4[%mul3A_2, %dma_wait3A_30] : memref<4096x32xf32, #tpu.memory_space<hbm>> -> memref<128x32xf32, #tpu.memory_space<hbm>>
      tpu.wait_dma2 semaphore(%run_scoped3A_23 : memref<!tpu.dma_semaphore, #tpu.memory_space<semaphore_mem>>) src(%arg6 : memref<128x32xf32, #tpu.memory_space<vmem>>) dst(%dma_wait3A_31 : memref<128x32xf32, #tpu.memory_space<hbm>>)
      tpu.yield
    }) : () -> ()
    return
  }
}

module attributes {stable_mosaic.version = 14 : i64} {
  func.func @_tc_body(%arg0: i32, %arg1: memref<1024x32xf32, #tpu.memory_space<vmem>>, %arg2: memref<8192x32xf32, #tpu.memory_space<vmem>>, %arg3: memref<1x1024x1xi32, #tpu.memory_space<vmem>>, %arg4: memref<1xf32, #tpu.memory_space<smem>>, %arg5: memref<1x8192xf32, #tpu.memory_space<vmem>>) attributes {dimension_semantics = [#tpu.dimension_semantics<arbitrary>], iteration_bounds = array<i64: 4>, scalar_prefetch = 0 : i64, scratch_operands = 1 : i64, tpu.core_type = #tpu.core_type<tc>, window_params = [{transform_indices = @transform_0, window_bounds = array<i64: 1024, 32>}, {pipeline_mode = #tpu.pipeline_mode<synchronous>, transform_indices = @transform_1, window_bounds = array<i64: 8192, 32>}, {transform_indices = @transform_2, window_bounds = array<i64: 1, 1024, 1>}, {transform_indices = @transform_3, window_bounds = array<i64: 1>}]} {
    %get3A = arith.constant 0 : index
    %get3A_0 = arith.constant 0 : index
    %get3A_1 = vector.load %arg1[%get3A, %get3A_0] : memref<1024x32xf32, #tpu.memory_space<vmem>>, vector<1024x32xf32>
    %get3A_2 = arith.constant 0 : index
    %get3A_3 = arith.constant 0 : index
    %get3A_4 = vector.load %arg2[%get3A_2, %get3A_3] : memref<8192x32xf32, #tpu.memory_space<vmem>>, vector<8192x32xf32>
    %eq3A = arith.constant 0 : i32
    %eq3A_5 = arith.cmpi eq, %arg0, %eq3A : i32
    %convert_element_type3A = arith.extui %eq3A_5 : i1 to i32
    %cond3A = arith.constant 0 : i32
    %cond3A_6 = arith.cmpi ne, %convert_element_type3A, %cond3A : i32
    scf.if %cond3A_6 {
      %broadcast_in_dim3A_149 = arith.constant 1.000000e+00 : f32
      %broadcast_in_dim3A_150 = vector.broadcast %broadcast_in_dim3A_149 : f32 to vector<1x32xf32>
      %mul3A_151 = arith.mulf %get3A_4, %get3A_4 : vector<8192x32xf32>
      %dot_general3A_152 = arith.constant dense<0.000000e+00> : vector<1x8192xf32>
      %dot_general3A_153 = tpu.matmul %broadcast_in_dim3A_150, %mul3A_151, %dot_general3A_152 {dimension_numbers = #tpu.dot_dimension_numbers<[1], [1], [0], [0], [0, 0, 1, 0], [], []>, precision = #tpu.contract_precision<fp32>, transpose_lhs_hint = false} : vector<1x32xf32>, vector<8192x32xf32>, vector<1x8192xf32> -> vector<1x8192xf32>
      %swap3A_154 = arith.constant 0 : index
      %swap3A_155 = arith.constant 0 : index
      %swap3A_156 = vector.load %arg5[%swap3A_154, %swap3A_155] : memref<1x8192xf32, #tpu.memory_space<vmem>>, vector<1x8192xf32>
      tpu.vector_store %arg5[%swap3A_154, %swap3A_155], %dot_general3A_153 {strides = array<i32>} : memref<1x8192xf32, #tpu.memory_space<vmem>>, vector<1x8192xf32>,
    } else {
    }
    %mul3A = arith.constant -2.000000e+00 : f32
    %mul3A_7 = vector.broadcast %mul3A : f32 to vector<1024x32xf32>
    %mul3A_8 = arith.mulf %get3A_1, %mul3A_7 : vector<1024x32xf32>
    %convert_element_type3A_9 = arith.truncf %mul3A_8 : vector<1024x32xf32> to vector<1024x32xbf16>
    %mul3A_10 = arith.mulf %get3A_1, %get3A_1 : vector<1024x32xf32>
    %reduce_sum3A = arith.constant dense<0.000000e+00> : vector<1024xf32>
    %reduce_sum3A_11 = vector.multi_reduction <add>, %mul3A_10, %reduce_sum3A [1] : vector<1024x32xf32> to vector<1024xf32>
    %broadcast_in_dim3A = vector.shape_cast %reduce_sum3A_11 : vector<1024xf32> to vector<1024x1xf32>
    %iota3A = tpu.iota {dimensions = array<i32: 1>} : vector<1024x2048xi32>
    %convert_element_type3A_12 = arith.sitofp %iota3A : vector<1024x2048xi32> to vector<1024x2048xf32>
    %broadcast_in_dim3A_13 = arith.constant 0x7F800000 : f32
    %broadcast_in_dim3A_14 = vector.broadcast %broadcast_in_dim3A_13 : f32 to vector<1024x1xf32>
    %broadcast_in_dim3A_15 = arith.constant 0.000000e+00 : f32
    %broadcast_in_dim3A_16 = vector.broadcast %broadcast_in_dim3A_15 : f32 to vector<1024x1xf32>
    %broadcast_in_dim3A_17 = arith.constant 0.000000e+00 : f32
    %broadcast_in_dim3A_18 = vector.broadcast %broadcast_in_dim3A_17 : f32 to vector<1024x1xf32>
    %slice3A = vector.extract_strided_slice %get3A_4 {offsets = [0, 0], sizes = [2048, 32], strides = [1, 1]} : vector<8192x32xf32> to vector<2048x32xf32>
    %dot_general3A = arith.constant dense<0.000000e+00> : vector<1024x2048xf32>
    %dot_general3A_19 = tpu.matmul %convert_element_type3A_9, %slice3A, %dot_general3A {dimension_numbers = #tpu.dot_dimension_numbers<[1], [1], [0], [0], [0, 0, 1, 0], [], []>, transpose_lhs_hint = false} : vector<1024x32xbf16>, vector<2048x32xf32>, vector<1024x2048xf32> -> vector<1024x2048xf32>
    %get3A_20 = arith.constant 0 : index
    %get3A_21 = arith.constant 0 : index
    %get3A_22 = vector.load %arg5[%get3A_20, %get3A_21] : memref<1x8192xf32, #tpu.memory_space<vmem>>, vector<1x2048xf32>
    %add3A = vector.broadcast %broadcast_in_dim3A : vector<1024x1xf32> to vector<1024x2048xf32>
    %add3A_23 = arith.addf %add3A, %dot_general3A_19 : vector<1024x2048xf32>
    %add3A_24 = vector.broadcast %get3A_22 : vector<1x2048xf32> to vector<1024x2048xf32>
    %add3A_25 = arith.addf %add3A_23, %add3A_24 : vector<1024x2048xf32>
    %reduce_min3A = arith.constant dense<0x7F800000> : vector<1024xf32>
    %reduce_min3A_26 = vector.multi_reduction <minimumf>, %add3A_25, %reduce_min3A [1] : vector<1024x2048xf32> to vector<1024xf32>
    %broadcast_in_dim3A_27 = vector.shape_cast %reduce_min3A_26 : vector<1024xf32> to vector<1024x1xf32>
    %eq3A_28 = vector.broadcast %broadcast_in_dim3A_27 : vector<1024x1xf32> to vector<1024x2048xf32>
    %eq3A_29 = arith.cmpf oeq, %add3A_25, %eq3A_28 : vector<1024x2048xf32>
    %jit3A = arith.constant 8.192000e+03 : f32
    %broadcast_in_dim3A_30 = vector.broadcast %jit3A : f32 to vector<1024x2048xf32>
    %select_n3A = arith.select %eq3A_29, %convert_element_type3A_12, %broadcast_in_dim3A_30 : vector<1024x2048xi1>, vector<1024x2048xf32>
    %reduce_min3A_31 = arith.constant dense<0x7F800000> : vector<1024xf32>
    %reduce_min3A_32 = vector.multi_reduction <minimumf>, %select_n3A, %reduce_min3A_31 [1] : vector<1024x2048xf32> to vector<1024xf32>
    %broadcast_in_dim3A_33 = vector.shape_cast %reduce_min3A_32 : vector<1024xf32> to vector<1024x1xf32>
    %add3A_34 = arith.constant 0.000000e+00 : f32
    %add3A_35 = vector.broadcast %add3A_34 : f32 to vector<1024x1xf32>
    %add3A_36 = arith.addf %broadcast_in_dim3A_33, %add3A_35 : vector<1024x1xf32>
    %lt3A = arith.cmpf olt, %broadcast_in_dim3A_27, %broadcast_in_dim3A_14 : vector<1024x1xf32>
    %convert_element_type3A_37 = arith.truncf %broadcast_in_dim3A_27 : vector<1024x1xf32> to vector<1024x1xbf16>
    %convert_element_type3A_38 = arith.extf %convert_element_type3A_37 : vector<1024x1xbf16> to vector<1024x1xf32>
    %select_n3A_39 = arith.select %lt3A, %convert_element_type3A_38, %broadcast_in_dim3A_14 : vector<1024x1xi1>, vector<1024x1xf32>
    %select_n3A_40 = arith.select %lt3A, %broadcast_in_dim3A_27, %broadcast_in_dim3A_16 : vector<1024x1xi1>, vector<1024x1xf32>
    %select_n3A_41 = arith.select %lt3A, %add3A_36, %broadcast_in_dim3A_18 : vector<1024x1xi1>, vector<1024x1xf32>
    %slice3A_42 = vector.extract_strided_slice %get3A_4 {offsets = [2048, 0], sizes = [2048, 32], strides = [1, 1]} : vector<8192x32xf32> to vector<2048x32xf32>
    %dot_general3A_43 = arith.constant dense<0.000000e+00> : vector<1024x2048xf32>
    %dot_general3A_44 = tpu.matmul %convert_element_type3A_9, %slice3A_42, %dot_general3A_43 {dimension_numbers = #tpu.dot_dimension_numbers<[1], [1], [0], [0], [0, 0, 1, 0], [], []>, transpose_lhs_hint = false} : vector<1024x32xbf16>, vector<2048x32xf32>, vector<1024x2048xf32> -> vector<1024x2048xf32>
    %get3A_45 = arith.constant 0 : index
    %get3A_46 = arith.constant 2048 : index
    %get3A_47 = vector.load %arg5[%get3A_45, %get3A_46] : memref<1x8192xf32, #tpu.memory_space<vmem>>, vector<1x2048xf32>
    %add3A_48 = vector.broadcast %broadcast_in_dim3A : vector<1024x1xf32> to vector<1024x2048xf32>
    %add3A_49 = arith.addf %add3A_48, %dot_general3A_44 : vector<1024x2048xf32>
    %add3A_50 = vector.broadcast %get3A_47 : vector<1x2048xf32> to vector<1024x2048xf32>
    %add3A_51 = arith.addf %add3A_49, %add3A_50 : vector<1024x2048xf32>
    %reduce_min3A_52 = arith.constant dense<0x7F800000> : vector<1024xf32>
    %reduce_min3A_53 = vector.multi_reduction <minimumf>, %add3A_51, %reduce_min3A_52 [1] : vector<1024x2048xf32> to vector<1024xf32>
    %broadcast_in_dim3A_54 = vector.shape_cast %reduce_min3A_53 : vector<1024xf32> to vector<1024x1xf32>
    %eq3A_55 = vector.broadcast %broadcast_in_dim3A_54 : vector<1024x1xf32> to vector<1024x2048xf32>
    %eq3A_56 = arith.cmpf oeq, %add3A_51, %eq3A_55 : vector<1024x2048xf32>
    %jit3A_57 = arith.constant 8.192000e+03 : f32
    %broadcast_in_dim3A_58 = vector.broadcast %jit3A_57 : f32 to vector<1024x2048xf32>
    %select_n3A_59 = arith.select %eq3A_56, %convert_element_type3A_12, %broadcast_in_dim3A_58 : vector<1024x2048xi1>, vector<1024x2048xf32>
    %reduce_min3A_60 = arith.constant dense<0x7F800000> : vector<1024xf32>
    %reduce_min3A_61 = vector.multi_reduction <minimumf>, %select_n3A_59, %reduce_min3A_60 [1] : vector<1024x2048xf32> to vector<1024xf32>
    %broadcast_in_dim3A_62 = vector.shape_cast %reduce_min3A_61 : vector<1024xf32> to vector<1024x1xf32>
    %add3A_63 = arith.constant 2.048000e+03 : f32
    %add3A_64 = vector.broadcast %add3A_63 : f32 to vector<1024x1xf32>
    %add3A_65 = arith.addf %broadcast_in_dim3A_62, %add3A_64 : vector<1024x1xf32>
    %lt3A_66 = arith.cmpf olt, %broadcast_in_dim3A_54, %select_n3A_39 : vector<1024x1xf32>
    %convert_element_type3A_67 = arith.truncf %broadcast_in_dim3A_54 : vector<1024x1xf32> to vector<1024x1xbf16>
    %convert_element_type3A_68 = arith.extf %convert_element_type3A_67 : vector<1024x1xbf16> to vector<1024x1xf32>
    %select_n3A_69 = arith.select %lt3A_66, %convert_element_type3A_68, %select_n3A_39 : vector<1024x1xi1>, vector<1024x1xf32>
    %select_n3A_70 = arith.select %lt3A_66, %broadcast_in_dim3A_54, %select_n3A_40 : vector<1024x1xi1>, vector<1024x1xf32>
    %select_n3A_71 = arith.select %lt3A_66, %add3A_65, %select_n3A_41 : vector<1024x1xi1>, vector<1024x1xf32>
    %slice3A_72 = vector.extract_strided_slice %get3A_4 {offsets = [4096, 0], sizes = [2048, 32], strides = [1, 1]} : vector<8192x32xf32> to vector<2048x32xf32>
    %dot_general3A_73 = arith.constant dense<0.000000e+00> : vector<1024x2048xf32>
    %dot_general3A_74 = tpu.matmul %convert_element_type3A_9, %slice3A_72, %dot_general3A_73 {dimension_numbers = #tpu.dot_dimension_numbers<[1], [1], [0], [0], [0, 0, 1, 0], [], []>, transpose_lhs_hint = false} : vector<1024x32xbf16>, vector<2048x32xf32>, vector<1024x2048xf32> -> vector<1024x2048xf32>
    %get3A_75 = arith.constant 0 : index
    %get3A_76 = arith.constant 4096 : index
    %get3A_77 = vector.load %arg5[%get3A_75, %get3A_76] : memref<1x8192xf32, #tpu.memory_space<vmem>>, vector<1x2048xf32>
    %add3A_78 = vector.broadcast %broadcast_in_dim3A : vector<1024x1xf32> to vector<1024x2048xf32>
    %add3A_79 = arith.addf %add3A_78, %dot_general3A_74 : vector<1024x2048xf32>
    %add3A_80 = vector.broadcast %get3A_77 : vector<1x2048xf32> to vector<1024x2048xf32>
    %add3A_81 = arith.addf %add3A_79, %add3A_80 : vector<1024x2048xf32>
    %reduce_min3A_82 = arith.constant dense<0x7F800000> : vector<1024xf32>
    %reduce_min3A_83 = vector.multi_reduction <minimumf>, %add3A_81, %reduce_min3A_82 [1] : vector<1024x2048xf32> to vector<1024xf32>
    %broadcast_in_dim3A_84 = vector.shape_cast %reduce_min3A_83 : vector<1024xf32> to vector<1024x1xf32>
    %eq3A_85 = vector.broadcast %broadcast_in_dim3A_84 : vector<1024x1xf32> to vector<1024x2048xf32>
    %eq3A_86 = arith.cmpf oeq, %add3A_81, %eq3A_85 : vector<1024x2048xf32>
    %jit3A_87 = arith.constant 8.192000e+03 : f32
    %broadcast_in_dim3A_88 = vector.broadcast %jit3A_87 : f32 to vector<1024x2048xf32>
    %select_n3A_89 = arith.select %eq3A_86, %convert_element_type3A_12, %broadcast_in_dim3A_88 : vector<1024x2048xi1>, vector<1024x2048xf32>
    %reduce_min3A_90 = arith.constant dense<0x7F800000> : vector<1024xf32>
    %reduce_min3A_91 = vector.multi_reduction <minimumf>, %select_n3A_89, %reduce_min3A_90 [1] : vector<1024x2048xf32> to vector<1024xf32>
    %broadcast_in_dim3A_92 = vector.shape_cast %reduce_min3A_91 : vector<1024xf32> to vector<1024x1xf32>
    %add3A_93 = arith.constant 4.096000e+03 : f32
    %add3A_94 = vector.broadcast %add3A_93 : f32 to vector<1024x1xf32>
    %add3A_95 = arith.addf %broadcast_in_dim3A_92, %add3A_94 : vector<1024x1xf32>
    %lt3A_96 = arith.cmpf olt, %broadcast_in_dim3A_84, %select_n3A_69 : vector<1024x1xf32>
    %convert_element_type3A_97 = arith.truncf %broadcast_in_dim3A_84 : vector<1024x1xf32> to vector<1024x1xbf16>
    %convert_element_type3A_98 = arith.extf %convert_element_type3A_97 : vector<1024x1xbf16> to vector<1024x1xf32>
    %select_n3A_99 = arith.select %lt3A_96, %convert_element_type3A_98, %select_n3A_69 : vector<1024x1xi1>, vector<1024x1xf32>
    %select_n3A_100 = arith.select %lt3A_96, %broadcast_in_dim3A_84, %select_n3A_70 : vector<1024x1xi1>, vector<1024x1xf32>
    %select_n3A_101 = arith.select %lt3A_96, %add3A_95, %select_n3A_71 : vector<1024x1xi1>, vector<1024x1xf32>
    %slice3A_102 = vector.extract_strided_slice %get3A_4 {offsets = [6144, 0], sizes = [2048, 32], strides = [1, 1]} : vector<8192x32xf32> to vector<2048x32xf32>
    %dot_general3A_103 = arith.constant dense<0.000000e+00> : vector<1024x2048xf32>
    %dot_general3A_104 = tpu.matmul %convert_element_type3A_9, %slice3A_102, %dot_general3A_103 {dimension_numbers = #tpu.dot_dimension_numbers<[1], [1], [0], [0], [0, 0, 1, 0], [], []>, transpose_lhs_hint = false} : vector<1024x32xbf16>, vector<2048x32xf32>, vector<1024x2048xf32> -> vector<1024x2048xf32>
    %get3A_105 = arith.constant 0 : index
    %get3A_106 = arith.constant 6144 : index
    %get3A_107 = vector.load %arg5[%get3A_105, %get3A_106] : memref<1x8192xf32, #tpu.memory_space<vmem>>, vector<1x2048xf32>
    %add3A_108 = vector.broadcast %broadcast_in_dim3A : vector<1024x1xf32> to vector<1024x2048xf32>
    %add3A_109 = arith.addf %add3A_108, %dot_general3A_104 : vector<1024x2048xf32>
    %add3A_110 = vector.broadcast %get3A_107 : vector<1x2048xf32> to vector<1024x2048xf32>
    %add3A_111 = arith.addf %add3A_109, %add3A_110 : vector<1024x2048xf32>
    %reduce_min3A_112 = arith.constant dense<0x7F800000> : vector<1024xf32>
    %reduce_min3A_113 = vector.multi_reduction <minimumf>, %add3A_111, %reduce_min3A_112 [1] : vector<1024x2048xf32> to vector<1024xf32>
    %broadcast_in_dim3A_114 = vector.shape_cast %reduce_min3A_113 : vector<1024xf32> to vector<1024x1xf32>
    %eq3A_115 = vector.broadcast %broadcast_in_dim3A_114 : vector<1024x1xf32> to vector<1024x2048xf32>
    %eq3A_116 = arith.cmpf oeq, %add3A_111, %eq3A_115 : vector<1024x2048xf32>
    %jit3A_117 = arith.constant 8.192000e+03 : f32
    %broadcast_in_dim3A_118 = vector.broadcast %jit3A_117 : f32 to vector<1024x2048xf32>
    %select_n3A_119 = arith.select %eq3A_116, %convert_element_type3A_12, %broadcast_in_dim3A_118 : vector<1024x2048xi1>, vector<1024x2048xf32>
    %reduce_min3A_120 = arith.constant dense<0x7F800000> : vector<1024xf32>
    %reduce_min3A_121 = vector.multi_reduction <minimumf>, %select_n3A_119, %reduce_min3A_120 [1] : vector<1024x2048xf32> to vector<1024xf32>
    %broadcast_in_dim3A_122 = vector.shape_cast %reduce_min3A_121 : vector<1024xf32> to vector<1024x1xf32>
    %add3A_123 = arith.constant 6.144000e+03 : f32
    %add3A_124 = vector.broadcast %add3A_123 : f32 to vector<1024x1xf32>
    %add3A_125 = arith.addf %broadcast_in_dim3A_122, %add3A_124 : vector<1024x1xf32>
    %lt3A_126 = arith.cmpf olt, %broadcast_in_dim3A_114, %select_n3A_99 : vector<1024x1xf32>
    %select_n3A_127 = arith.select %lt3A_126, %broadcast_in_dim3A_114, %select_n3A_100 : vector<1024x1xi1>, vector<1024x1xf32>
    %select_n3A_128 = arith.select %lt3A_126, %add3A_125, %select_n3A_101 : vector<1024x1xi1>, vector<1024x1xf32>
    %convert_element_type3A_129 = arith.fptosi %select_n3A_128 : vector<1024x1xf32> to vector<1024x1xi32>
    %broadcast_in_dim3A_130 = vector.shape_cast %convert_element_type3A_129 : vector<1024x1xi32> to vector<1x1024x1xi32>
    %swap3A = arith.constant 0 : index
    %swap3A_131 = arith.constant 0 : index
    %swap3A_132 = arith.constant 0 : index
    %swap3A_133 = vector.load %arg3[%swap3A, %swap3A_131, %swap3A_132] : memref<1x1024x1xi32, #tpu.memory_space<vmem>>, vector<1x1024x1xi32>
    tpu.vector_store %arg3[%swap3A, %swap3A_131, %swap3A_132], %broadcast_in_dim3A_130 {strides = array<i32>} : memref<1x1024x1xi32, #tpu.memory_space<vmem>>, vector<1x1024x1xi32>,
    %eq3A_134 = arith.constant 0 : i32
    %eq3A_135 = arith.cmpi eq, %arg0, %eq3A_134 : i32
    %convert_element_type3A_136 = arith.extui %eq3A_135 : i1 to i32
    %cond3A_137 = arith.constant 0 : i32
    %cond3A_138 = arith.cmpi ne, %convert_element_type3A_136, %cond3A_137 : i32
    scf.if %cond3A_138 {
      %swap3A_149 = arith.constant 0.000000e+00 : f32
      %swap3A_150 = arith.constant 0 : index
      %swap3A_151 = memref.load %arg4[%swap3A_150] : memref<1xf32, #tpu.memory_space<smem>>
      memref.store %swap3A_149, %arg4[%swap3A_150] : memref<1xf32, #tpu.memory_space<smem>>
    } else {
    }
    %get3A_139 = arith.constant 0 : index
    %get3A_140 = memref.load %arg4[%get3A_139] : memref<1xf32, #tpu.memory_space<smem>>
    %reduce_sum3A_141 = vector.shape_cast %select_n3A_127 : vector<1024x1xf32> to vector<1x1024x1xf32>
    %reduce_sum3A_142 = arith.constant dense<0.000000e+00> : vector<1xf32>
    %reduce_sum3A_143 = vector.multi_reduction <add>, %reduce_sum3A_141, %reduce_sum3A_142 [1, 2] : vector<1x1024x1xf32> to vector<1xf32>
    %reduce_sum3A_144 = vector.shape_cast %reduce_sum3A_143 : vector<1xf32> to vector<1x1x1xf32>
    %reduce_sum3A_145 = vector.extract %reduce_sum3A_144[0, 0, 0] : f32 from vector<1x1x1xf32>
    %add3A_146 = arith.addf %get3A_140, %reduce_sum3A_145 : f32
    %swap3A_147 = arith.constant 0 : index
    %swap3A_148 = memref.load %arg4[%swap3A_147] : memref<1xf32, #tpu.memory_space<smem>>
    memref.store %add3A_146, %arg4[%swap3A_147] : memref<1xf32, #tpu.memory_space<smem>>
    return
  }
  func.func @transform_0(%arg0: i32) -> (i32, i32) {
    %c0_i32 = arith.constant 0 : i32
    %c0_i32_0 = arith.constant 0 : i32
    return %arg0, %c0_i32 : i32, i32
  }
  func.func @transform_1(%arg0: i32) -> (i32, i32) {
    %c0_i32 = arith.constant 0 : i32
    %c0_i32_0 = arith.constant 0 : i32
    %c0_i32_1 = arith.constant 0 : i32
    return %c0_i32, %c0_i32_0 : i32, i32
  }
  func.func @transform_2(%arg0: i32) -> (i32, i32, i32) {
    %c0_i32 = arith.constant 0 : i32
    %c0_i32_0 = arith.constant 0 : i32
    %c0_i32_1 = arith.constant 0 : i32
    return %arg0, %c0_i32, %c0_i32_0 : i32, i32, i32
  }
  func.func @transform_3(%arg0: i32) -> i32 {
    %c0_i32 = arith.constant 0 : i32
    %c0_i32_0 = arith.constant 0 : i32
    return %c0_i32 : i32
  }
}

</mosaic_0001>

<sc_bundles>
// kernel: kernel.6.cloned.1.call-start
scs
__scs_entry_jumppad:
0x0: {  	(pc) =	sbr.rel $0x88, $3  }
0x1: {  	(tag) =	ssettag $0x0;
	lr =	simm.s32 $0x1  }
0x2: {  	[smem:$0x3F9F] =	sst lr;
	_ =	strace $0xD0000000  }
0x3: {  	_ = 	snop  }
0x4: {  	_ = 	snop  }
0x5: {  	_ = 	snop  }
0x6: {  	_ = 	snop  }
0x7: {  	_ = 	snop  }
__scs_overlays_trampoline_lowered:
0x8: {  	[smem:$0x3FAE] =	sst s0  }
0x9: {  	[smem:$0x3FAF] =	sst s1  }
0xa: {  	[smem:$0x3FB0] =	sst s2  }
0xb: {  	[smem:$0x3FB1] =	sst s3  }
0xc: {  	[smem:$0x3FB2] =	sst s4  }
0xd: {  	[smem:$0x3FB3] =	sst s5  }
0xe: {  	[smem:$0x3FB4] =	sst s6  }
0xf: {  	[smem:$0x3FB5] =	sst s7  }
0x10: {  	[smem:$0x3FB6] =	sst s8  }
0x11: {  	[smem:$0x3FB7] =	sst s9;
	s0 =	simm.s32 @!p0 $0x0  }
0x12: {  	s1 =	sld [smem:$0x3F9D];
	s0 =	simm.s32 @p0 $0x1  }
0x13: {  	[smem:$0x3FB8] =	sst s0;
	s0 =	simm.s32 @!p1 $0x0  }
0x14: {  	s2 =	sld [smem:$0x3F9C];
	s0 =	simm.s32 @p1 $0x1  }
0x15: {  	[smem:$0x3FB9] =	sst s0;
	s0 =	simm.s32 @!p2 $0x0  }
0x16: {  	s3 =	sld [smem:$0x3FDB];
	s0 =	simm.s32 @p2 $0x1  }
0x17: {  	s4 =	simm.s32 $0x1BF5;
	[smem:$0x3FBB] =	sst s0  }
0x18: {  	s0 =	sld [smem:$0x3F9E];
	_ =	swait.ge [sflag:s4], $0x0  }
0x19: {  	s7 =	sld [smem:$0x3F9F]  }
0x1a: {  	s8 =	sadd.s32 $0xFFFFE003, lr  }
0x1b: {  	s9 =	sadd.s32 $0xFFFFFEF7, lr;
	s5 =	simm.s32 $0xFFFFFFFF;
	p2 =	slt.u32 s8, $0xFFFFF086  }
0x1c: {  	p1 =	slt.u32 s9, $0xF7A;
	s5 =	simm.s32 @!p2 $0x0  }
0x1d: {  	s5 =	simm.s32 @p1 $0x1;
	p0 =	seq.s32 s7, s2  }
0x1e: {  	s7 =	smul.u32 @!p0 $0xF7A, s2;
	p2 =	seq.s32 @!p0 s5, $0x0  }
0x1f: {  	s9 =	smul.u32 $0xF7A, s1;
	s8 =	simm.s32 @!p0 $0x1BF5;
	p2 =	por !p2, p0  }
0x20: {  	[sflag:s8] =	ssyncset.s32 @!p0 $0xFFFFF086;
	s6 =	sadd.s32 @!p0 s3, s7;
	s7 =	simm.s32 @!p0 $0x108  }
0x21: {  	s3 =	sadd.s32 s3, s9;
	s6 =	sadd.s32 @!p0 $0x88, s6;
	s7 =	simm.s32 @p2 $0x1082  }
0x22: {  	[simem:s7], [sflag:s8] =	dma.local @!p0 [hbm:s6], $0xF7A  }
0x23: {  	s9 =	sor.u32 $0xD0000000, s2;
	s6 =	simm.s32 $0x108;
	_ =	swait.ge @!p0 [sflag:s8], $0x0  }
0x24: {  	s3 =	sadd.s32 $0x88, s3;
	s6 =	simm.s32 @!p1 $0x1082;
	[sflag:s4] =	ssyncset.s32 $0xFFFFF086  }
0x25: {  	[simem:s6], [sflag:s4] =	dma.local [hbm:s3], $0xF7A  }
0x26: {  	[smem:$0x3F9F] =	sst s1;
	(tag) =	ssettag s2;
	_ =	strace s9  }
0x27: {  	s1 =	sld [smem:$0x3FAF]  }
0x28: {  	s2 =	sld [smem:$0x3FB0]  }
0x29: {  	s4 =	sld [smem:$0x3FB2]  }
0x2a: {  	p0 =	seq.s32 s5, $0x0;
	s5 =	sld [smem:$0x3FB3]  }
0x2b: {  	s6 =	sld [smem:$0x3FB4]  }
0x2c: {  	s7 =	sld [smem:$0x3FB5]  }
0x2d: {  	s3 =	simm.s32 $0x108;
	s8 =	sld [smem:$0x3FB6]  }
0x2e: {  	s3 =	simm.s32 @!p0 $0x1082;
	s9 =	sld [smem:$0x3FB7]  }
0x2f: {  	lr =	sadd.s32 s0, s3;
	s0 =	sld [smem:$0x3FAE]  }
0x30: {  	s3 =	sld [smem:$0x3FB1]  }
0x31: {  	[smem:$0x3FBA] =	sst s10  }
0x32: {  	s10 =	sld [smem:$0x3FB8];
	_ =	sdelay $0x3  }
0x33: {  	p0 =	seq.s32 s10, $0x1;
	s10 =	sld [smem:$0x3FBA];
	_ =	sdelay $0x3  }
0x34: {  	[smem:$0x3FBA] =	sst s10  }
0x35: {  	s10 =	sld [smem:$0x3FB9];
	_ =	sdelay $0x3  }
0x36: {  	p1 =	seq.s32 s10, $0x1;
	s10 =	sld [smem:$0x3FBA];
	_ =	sdelay $0x3  }
0x37: {  	[smem:$0x3FBA] =	sst s10  }
0x38: {  	s10 =	sld [smem:$0x3FBB]  }
0x39: {  	_ = 	snop;
	(pc) =	sbr.ind lr, $3  }
0x3a: {  	_ = 	snop  }
0x3b: {  	_ = 	snop  }
0x3c: {  	p2 =	seq.s32 s10, $0x1;
	s10 =	sld [smem:$0x3FBA]  }
0x3d: {  	_ =	shalt  }
0x3e: {  	_ =	shalt  }
0x3f: {  	_ =	shalt  }
0x40: {  	_ =	shalt  }
0x41: {  	_ =	shalt  }
0x42: {  	_ =	shalt  }
0x43: {  	_ =	shalt  }
0x44: {  	_ =	shalt  }
0x45: {  	_ =	shalt  }
0x46: {  	_ =	shalt  }
0x47: {  	_ =	shalt  }
0x48: {  	_ =	shalt  }
0x49: {  	_ =	shalt  }
0x4a: {  	_ =	shalt  }
0x4b: {  	_ =	shalt  }
0x4c: {  	_ =	shalt  }
0x4d: {  	_ =	shalt  }
0x4e: {  	_ =	shalt  }
0x4f: {  	_ =	shalt  }
0x50: {  	_ =	shalt  }
0x51: {  	_ =	shalt  }
0x52: {  	_ =	shalt  }
0x53: {  	_ =	shalt  }
0x54: {  	_ =	shalt  }
0x55: {  	_ =	shalt  }
0x56: {  	_ =	shalt  }
0x57: {  	_ =	shalt  }
0x58: {  	_ =	shalt  }
0x59: {  	_ =	shalt  }
0x5a: {  	_ =	shalt  }
0x5b: {  	_ =	shalt  }
0x5c: {  	_ =	shalt  }
0x5d: {  	_ =	shalt  }
0x5e: {  	_ =	shalt  }
0x5f: {  	_ =	shalt  }
0x60: {  	_ =	shalt  }
0x61: {  	_ =	shalt  }
0x62: {  	_ =	shalt  }
0x63: {  	_ =	shalt  }
0x64: {  	_ =	shalt  }
0x65: {  	_ =	shalt  }
0x66: {  	_ =	shalt  }
0x67: {  	_ =	shalt  }
0x68: {  	_ =	shalt  }
0x69: {  	_ =	shalt  }
0x6a: {  	_ =	shalt  }
0x6b: {  	_ =	shalt  }
0x6c: {  	_ =	shalt  }
0x6d: {  	_ =	shalt  }
0x6e: {  	_ =	shalt  }
0x6f: {  	_ =	shalt  }
0x70: {  	_ =	shalt  }
0x71: {  	_ =	shalt  }
0x72: {  	_ =	shalt  }
0x73: {  	_ =	shalt  }
0x74: {  	_ =	shalt  }
0x75: {  	_ =	shalt  }
0x76: {  	_ =	shalt  }
0x77: {  	_ =	shalt  }
0x78: {  	_ =	shalt  }
0x79: {  	_ =	shalt  }
0x7a: {  	_ =	shalt  }
0x7b: {  	_ =	shalt  }
0x7c: {  	_ =	shalt  }
0x7d: {  	_ =	shalt  }
0x7e: {  	_ =	shalt  }
0x7f: {  	_ =	shalt  }
0x80: {  	_ =	shalt  }
0x81: {  	_ =	shalt  }
0x82: {  	_ =	shalt  }
0x83: {  	_ =	shalt  }
0x84: {  	_ =	shalt  }
0x85: {  	_ =	shalt  }
0x86: {  	_ =	shalt  }
0x87: {  	_ =	shalt  }
.Lfunc_end0:
.L_simem_size_0:
called_computation_lowered:
.L_overlay_start_0:
0x88: {  	s2 =	sld [smem:$0x3FD9]  }
0x89: {  	s3 =	sld [smem:$0x3FFE];
	_ =	sdelay $0x1  }
0x8a: {  	s1 =	srdreg.scid  }
0x8b: {  	s0 =	sand.u32 $0x1, s1  }
0x8c: {  	s15 =	sshll.u32 s0, $0xA;
	s2 =	sadd.s32 s3, s2  }
0x8d: {  	s2 =	sadd.s32 s2, s15  }
0x8e: {  	[smem:$0x3FC6] =	sst s2  }
0x8f: {  	_ = 	snop  }
0x90: {  	s2 =	sld [smem:$0x3FD0];
	_ =	sdelay $0x2  }
0x91: {  	s16 =	simm.s32 $0xB;
	s4 =	simm.s32 $0x10  }
0x92: {  	[smem:s4], [sflag:s16] =	dma.local [hbm:s2], $0x1  }
0x93: {  	_ =	swait.eq [sflag:s16], $0x1  }
0x94: {  	[sflag:s16] =	ssyncset.done $0x0  }
0x95: {  	[sflag:s16] =	ssyncadd.s32 $0xFFFFFFFF  }
0x96: {  	s17 =	sld [smem:$0x10];
	(tm) =	ssettm $0x1  }
0x97: {  	s18 =	sld [smem:$0x3FFB];
	_ =	sdelay $0x3  }
0x98: {  	_ =	strace s18  }
0x99: {  	s2 =	sld [smem:$0x3FFC];
	_ =	sdelay $0x3  }
0x9a: {  	_ =	strace s2  }
0x9b: {  	s2 =	sld [smem:$0x3FFD];
	_ =	sdelay $0x3  }
0x9c: {  	_ =	strace s2  }
0x9d: {  	_ =	strace $0x8FFFFFFF  }
0x9e: {  	s19 =	sld [smem:$0x3FDB];
	_ =	sdelay $0x1  }
0x9f: {  	s20 =	simm.s32 $_scs_section_size  }
0xa0: {  	s5 =	simm.s32 $_size__tile_overlayer_lowered;
	s6 =	simm.s32 $_tile_overlayer_lowered  }
0xa1: {  	s7 =	simm.s32 $0x1BFF;
	s21 =	sshll.u32 s6, $0x1;
	s4 =	sadd.s32 s20, s19  }
0xa2: {  	s22 =	simm.s32 $0x0;
	s5 =	sshll.u32 s5, $0x1;
	s6 =	sadd.s32 s21, s4  }
0xa3: {  	[timem:s22], [sflag:s7] =	dma.local [hbm:s6], s5  }
0xa4: {  	_ =	swait.ge [sflag:s7], s5  }
0xa5: {  	s5 =	ssub.s32 $0x0, s5;
	[sflag:s7] =	ssyncset.done $0x0  }
0xa6: {  	[sflag:s7] =	ssyncadd.s32 s5;
	_ =	sdelay $0x1  }
0xa7: {  	s23 =	simm.s32 $0x1B8B  }
0xa8: {  	_ =	swait.ge [sflag:s23], $0x1  }
0xa9: {  	[sflag:s23] =	ssyncset.done $0x0  }
0xaa: {  	[sflag:s23] =	ssyncadd.s32 $0xFFFFFFFF  }
0xab: {  	s5 =	sld [smem:$0x0]  }
0xac: {  	s6 =	sand.u32 $0xFFFFFFFE, s1  }
0xad: {  	p0 =	sne.s32 s1, s6  }
0xae: {  	s6 =	sshll.u32 @p0 s6, $0xE  }
0xaf: {  	s6 =	sadd.s32 @p0 $0x11B8D, s6;
	s7 =	sshll.u32 @p0 s5, $0x11  }
0xb0: {  	s6 =	sor.u32 @p0 s7, s6  }
0xb1: {  	[sflag:s6] =	ssyncadd.remote.s32 @p0 $0x1;
	_ =	sdelay $0x1  }
0xb2: {  	s6 =	simm.s32 @p0 $0x1B8D  }
0xb3: {  	_ =	swait.eq @p0 [sflag:s6], $0x1  }
0xb4: {  	[sflag:s6] =	ssyncadd.s32 @p0 $0xFFFFFFFF  }
0xb5: {  	s7 =	sshll.u32 @!p0 s1, $0xE  }
0xb6: {  	s7 =	sor.u32 @!p0 $0x4000, s7;
	s6 =	simm.s32 @!p0 $0x1B8D  }
0xb7: {  	s5 =	sshll.u32 @!p0 s5, $0x11;
	s7 =	sadd.s32 @!p0 $0x11B8D, s7;
	_ =	swait.eq @!p0 [sflag:s6], $0x1  }
0xb8: {  	s5 =	sor.u32 @!p0 s5, s7;
	[sflag:s6] =	ssyncadd.s32 @!p0 $0xFFFFFFFF  }
0xb9: {  	s25 =	simm.s32 $0x1B8E;
	s24 =	sld [smem:$0x3FFE];
	[sflag:s5] =	ssyncadd.remote.s32 @!p0 $0x1  }
0xba: {  	s26 =	simm.s32 $execute0_lowered;
	[smem:$0x3FD2] =	sst s25  }
0xbb: {  	s6 =	sshll.u32 s26, $0x1;
	_ =	strace $0x80000049;
	[dreg:$0x1] =	wrdreg $0xFFFFFFFF  }
0xbc: {  	s28 =	simm.s32 $_size_execute0_lowered;
	s4 =	sadd.s32 s4, s6;
	[dreg:$0x0] =	wrdreg $0x0  }
0xbd: {  	s6 =	sshll.u32 s28, $0x1;
	[dreg:$0x2] =	wrdreg s4  }
0xbe: {  	[dreg:$0x3] =	wrdreg s6  }
0xbf: {  	[dreg:$0x4] =	wrdreg $0xC0  }
0xc0: {  	_ =	task [dreg:s22], $0x5FFFF  }
0xc1: {  	[dreg:$0x1] =	wrdreg $0xFFFFFFFF  }
0xc2: {  	[dreg:$0x0] =	wrdreg $0x60  }
0xc3: {  	[dreg:$0x2] =	wrdreg s17  }
0xc4: {  	[dreg:$0x3] =	wrdreg s24  }
0xc5: {  	[dreg:$0x4] =	wrdreg $0x9  }
0xc6: {  	_ =	task.clear_ibuf [dreg:s22], $0x5FFFF;
	_ =	strace $0x90000049  }
0xc7: {  	s29 =	simm.s32 $0x9;
	_ =	strace $0x8000004B  }
0xc8: {  	_ =	swait.ge [sflag:s29], $0x1  }
0xc9: {  	[sflag:s29] =	ssyncadd.s32 $0xFFFFFFFF  }
0xca: {  	_ =	strace $0x9000004B  }
0xcb: {  	_ =	sfence  }
0xcc: {  	s30 =	sld [smem:$0x0];
	_ =	sdelay $0x2  }
0xcd: {  	s31 =	sshll.u32 s1, $0xD;
	s1 =	sshrl.u32 s1, $0x2  }
0xce: {  	s4 =	sand.u32 $0x4000, s31;
	s1 =	sadd.s32 s1, s30  }
0xcf: {  	s0 =	sor.u32 s4, s0;
	s1 =	sshll.u32 s1, $0x11  }
0xd0: {  	s0 =	sor.u32 s1, s0  }
0xd1: {  	s0 =	sadd.s32 $0x8F2B, s0  }
0xd2: {  	[sflag:s0] =	ssyncadd.remote.s32 $0x1  }
0xd3: {  	_ =	sfence.sel $0xFFFF  }
0xd4: {  	[dreg:$0x0] =	wrdreg $0xFFFFFFFF;
	(pc) =	sbr.abs _section_cstart, $3  }
0xd5: {  	[dreg:$0x1] =	wrdreg $0xFFFFFFFF  }
0xd6: {  	_ =	task.clear_ibuf [dreg:s22], $0x2FFFF;
	_ =	strace $0x9FFFFFFF  }
0xd7: {  	(tm) =	ssettm $0x7FFFFFFF  }
tec
execute0_lowered:
.L_overlay_start_1:
0x0: {  	(tag) =	ssettag $0x1  }
0x1: {  	s1 =	srdreg.scid  }
0x2: {  	s0 =	stileid.u32;
	s6 =	sand.u32 $0x1, s1  }
0x3: {  	s2 =	rddreg [dreg:$0x0];
	s30 =	sshll.u32 s0, $0x8;
	s3 =	sshll.u32 s6, $0x7  }
0x4: {  	s8 =	rddreg [dreg:$0x1];
	s7 =	simm.s32 $0x1;
	s9 =	sor.u32 s3, s30  }
0x5: {  	s1 =	rddreg [dreg:$0x2];
	s3 =	simm.s32 $0x0;
	s4 =	sshrl.u32 s9, $0x3  }
0x6: {  	s10 =	ssub.s32 $0x2, s6;
	[smem:$0x7FF] =	sst s3;
	s4 =	sadd.s32 s4, s8  }
0x7: {  	_ =	strace $0x8000004A;
	s5 =	sadd.s32 $0x4A00, s4;
	s4 =	simm.s32 $0x2  }
0x8: {  	[tilespmem:s3], [sflag:$0x2] =	stream.linear.gather [hbm4b:s5+s3], $0x80, $0x38;
	[tilespmem:$0x1080] =	vst v63  }
0x9: {  	s6 =	simm.s32 $0x80;
	s11 =	sshrl.u32 s10, $0x1;
	_ =	swait.ge [sflag:s4], $0x80  }
0xa: {  	s9 =	sshll.u32 s9, $0x2;
	s31 =	ssub.s32 s10, s11;
	[sflag:s4] =	ssyncset.done $0x0  }
0xb: {  	s8 =	sadd.s32 s9, s8;
	s9 =	smax.u32 s31, $0x1;
	[sflag:s4] =	ssyncadd.s32 $0xFFFFFF80  }
0xc: {  	[tilespmem:s6], [sflag:$0x1] =	stream.indirect.gather [hbm4b:s2+s6], $0x20, s3, s6, $0xb8;
	[tilespmem:$0x1080] =	vst v63  }
0xd: {  	p0 =	sne.s32 s9, $0x1;
	_ =	swait.ge [sflag:s7], $0x1000  }
.Ltmp0:
0xe: {  	[sflag:s7] =	ssyncset.done $0x0;
	(pc) =	sbr.rel @!p0 .LBB2_2-.Ltmp0, $4  }
0xf: {  	s8 =	sadd.s32 $0x4C00, s8;
	[sflag:s7] =	ssyncadd.s32 $0xFFFFF000  }
0x10: {  	[hbm4b:s8+s3] =	stream.linear.scatter [tilespmem:s6], [sflag:$0x2], $0x1000, $0x38;
	[tilespmem:$0x1080] =	vst v63  }
0x11: {  	_ =	swait.ge [sflag:s4], $0x1000  }
0x12: {  	s9 =	sadd.s32 $0xFFFFFFFF, s9;
	[sflag:s4] =	ssyncset.done $0x0  }
.LBB2_1:
0x13: {  	p0 =	sne.s32 s9, $0x1;
	s9 =	sadd.s32 $0xFFFFFFFF, s9;
	[sflag:s4] =	ssyncadd.s32 $0xFFFFF000  }
0x14: {  	[tilespmem:s3], [sflag:$0x2] =	stream.linear.gather [hbm4b:s5+s3], $0x80, $0x38;
	[tilespmem:$0x1080] =	vst v63  }
0x15: {  	_ =	swait.ge [sflag:s4], $0x80  }
0x16: {  	[sflag:s4] =	ssyncset.done $0x0  }
0x17: {  	[sflag:s4] =	ssyncadd.s32 $0xFFFFFF80  }
0x18: {  	[tilespmem:s6], [sflag:$0x1] =	stream.indirect.gather [hbm4b:s2+s6], $0x20, s3, s6, $0xb8;
	[tilespmem:$0x1080] =	vst v63  }
0x19: {  	_ =	swait.ge [sflag:s7], $0x1000  }
.Ltmp1:
0x1a: {  	[sflag:s7] =	ssyncset.done $0x0;
	(pc) =	sbr.rel @p0 .LBB2_1-.Ltmp1, $4  }
0x1b: {  	[sflag:s7] =	ssyncadd.s32 $0xFFFFF000  }
0x1c: {  	[hbm4b:s8+s3] =	stream.linear.scatter [tilespmem:s6], [sflag:$0x2], $0x1000, $0x38;
	[tilespmem:$0x1080] =	vst v63  }
0x1d: {  	_ =	swait.ge [sflag:s4], $0x1000  }
0x1e: {  	[sflag:s4] =	ssyncset.done $0x0  }
.LBB2_2:
0x1f: {  	[sflag:s4] =	ssyncadd.s32 $0xFFFFF000  }
0x20: {  	_ =	sfence.sel $0x180000  }
0x21: {  	[bflag:$0x0] =	sbarrier.arrive $0xFFFF  }
0x22: {  	p0 =	sne.s32 s0, $0x0;
	_ =	strace $0x9000004A  }
0x23: {  	s0 =	sadd.s32 @!p0 $0x100000, s1;
	[bflag:$0x2] =	sbarrier.arrive $0xFFFF  }
0x24: {  	[sflag:s0] =	ssyncadd.tile.s32 @!p0 $0x1;
	_ =	shalt  }
.Lfunc_end2:
_tile_overlayer_lowered:
.L_overlay_start_2:
0x25: {  	(tag) =	ssettag $0x2  }
0x26: {  	s0 =	rddreg [dreg:$0x0];
	s2 =	stileid.u32  }
0x27: {  	s1 =	rddreg [dreg:$0x1];
	p0 =	sne.s32 s2, $0x0  }
0x28: {  	s3 =	rddreg [dreg:$0x2];
	[bflag:$0x3] =	sbarrier.arrive $0xFFFF;
	s2 =	simm.s32 @!p0 $0x1C02  }
0x29: {  	[timem:s3], [sflag:s2] =	dma.local @!p0 [hbm:s0], s1  }
0x2a: {  	s0 =	simm.s32 @!p0 $0x2  }
0x2b: {  	_ =	swait.ge @!p0 [sflag:s0], s1  }
0x2c: {  	s1 =	ssub.s32 @!p0 $0x0, s1;
	[sflag:s0] =	ssyncset.done @!p0 $0x0  }
0x2d: {  	[sflag:s0] =	ssyncadd.s32 @!p0 s1  }
0x2e: {  	[bflag:$0x3] =	sbarrier.arrive $0xFFFF  }
0x2f: {  	_ =	shalt  }

// kernel: kernel.9.cloned.1.call-start
scs
__scs_entry_jumppad:
0x0: {  	(pc) =	sbr.rel $0x88, $3  }
0x1: {  	(tag) =	ssettag $0x0;
	lr =	simm.s32 $0x1  }
0x2: {  	[smem:$0x3F9F] =	sst lr;
	_ =	strace $0xD0000000  }
0x3: {  	_ = 	snop  }
0x4: {  	_ = 	snop  }
0x5: {  	_ = 	snop  }
0x6: {  	_ = 	snop  }
0x7: {  	_ = 	snop  }
__scs_overlays_trampoline_lowered:
0x8: {  	[smem:$0x3FAE] =	sst s0  }
0x9: {  	[smem:$0x3FAF] =	sst s1  }
0xa: {  	[smem:$0x3FB0] =	sst s2  }
0xb: {  	[smem:$0x3FB1] =	sst s3  }
0xc: {  	[smem:$0x3FB2] =	sst s4  }
0xd: {  	[smem:$0x3FB3] =	sst s5  }
0xe: {  	[smem:$0x3FB4] =	sst s6  }
0xf: {  	[smem:$0x3FB5] =	sst s7  }
0x10: {  	[smem:$0x3FB6] =	sst s8  }
0x11: {  	[smem:$0x3FB7] =	sst s9;
	s0 =	simm.s32 @!p0 $0x0  }
0x12: {  	s1 =	sld [smem:$0x3F9D];
	s0 =	simm.s32 @p0 $0x1  }
0x13: {  	[smem:$0x3FB8] =	sst s0;
	s0 =	simm.s32 @!p1 $0x0  }
0x14: {  	s2 =	sld [smem:$0x3F9C];
	s0 =	simm.s32 @p1 $0x1  }
0x15: {  	[smem:$0x3FB9] =	sst s0;
	s0 =	simm.s32 @!p2 $0x0  }
0x16: {  	s3 =	sld [smem:$0x3FDB];
	s0 =	simm.s32 @p2 $0x1  }
0x17: {  	s4 =	simm.s32 $0x1BF5;
	[smem:$0x3FBB] =	sst s0  }
0x18: {  	s0 =	sld [smem:$0x3F9E];
	_ =	swait.ge [sflag:s4], $0x0  }
0x19: {  	s7 =	sld [smem:$0x3F9F]  }
0x1a: {  	s8 =	sadd.s32 $0xFFFFE003, lr  }
0x1b: {  	s9 =	sadd.s32 $0xFFFFFEF7, lr;
	s5 =	simm.s32 $0xFFFFFFFF;
	p2 =	slt.u32 s8, $0xFFFFF086  }
0x1c: {  	p1 =	slt.u32 s9, $0xF7A;
	s5 =	simm.s32 @!p2 $0x0  }
0x1d: {  	s5 =	simm.s32 @p1 $0x1;
	p0 =	seq.s32 s7, s2  }
0x1e: {  	s7 =	smul.u32 @!p0 $0xF7A, s2;
	p2 =	seq.s32 @!p0 s5, $0x0  }
0x1f: {  	s9 =	smul.u32 $0xF7A, s1;
	s8 =	simm.s32 @!p0 $0x1BF5;
	p2 =	por !p2, p0  }
0x20: {  	[sflag:s8] =	ssyncset.s32 @!p0 $0xFFFFF086;
	s6 =	sadd.s32 @!p0 s3, s7;
	s7 =	simm.s32 @!p0 $0x108  }
0x21: {  	s3 =	sadd.s32 s3, s9;
	s6 =	sadd.s32 @!p0 $0x88, s6;
	s7 =	simm.s32 @p2 $0x1082  }
0x22: {  	[simem:s7], [sflag:s8] =	dma.local @!p0 [hbm:s6], $0xF7A  }
0x23: {  	s9 =	sor.u32 $0xD0000000, s2;
	s6 =	simm.s32 $0x108;
	_ =	swait.ge @!p0 [sflag:s8], $0x0  }
0x24: {  	s3 =	sadd.s32 $0x88, s3;
	s6 =	simm.s32 @!p1 $0x1082;
	[sflag:s4] =	ssyncset.s32 $0xFFFFF086  }
0x25: {  	[simem:s6], [sflag:s4] =	dma.local [hbm:s3], $0xF7A  }
0x26: {  	[smem:$0x3F9F] =	sst s1;
	(tag) =	ssettag s2;
	_ =	strace s9  }
0x27: {  	s1 =	sld [smem:$0x3FAF]  }
0x28: {  	s2 =	sld [smem:$0x3FB0]  }
0x29: {  	s4 =	sld [smem:$0x3FB2]  }
0x2a: {  	p0 =	seq.s32 s5, $0x0;
	s5 =	sld [smem:$0x3FB3]  }
0x2b: {  	s6 =	sld [smem:$0x3FB4]  }
0x2c: {  	s7 =	sld [smem:$0x3FB5]  }
0x2d: {  	s3 =	simm.s32 $0x108;
	s8 =	sld [smem:$0x3FB6]  }
0x2e: {  	s3 =	simm.s32 @!p0 $0x1082;
	s9 =	sld [smem:$0x3FB7]  }
0x2f: {  	lr =	sadd.s32 s0, s3;
	s0 =	sld [smem:$0x3FAE]  }
0x30: {  	s3 =	sld [smem:$0x3FB1]  }
0x31: {  	[smem:$0x3FBA] =	sst s10  }
0x32: {  	s10 =	sld [smem:$0x3FB8];
	_ =	sdelay $0x3  }
0x33: {  	p0 =	seq.s32 s10, $0x1;
	s10 =	sld [smem:$0x3FBA];
	_ =	sdelay $0x3  }
0x34: {  	[smem:$0x3FBA] =	sst s10  }
0x35: {  	s10 =	sld [smem:$0x3FB9];
	_ =	sdelay $0x3  }
0x36: {  	p1 =	seq.s32 s10, $0x1;
	s10 =	sld [smem:$0x3FBA];
	_ =	sdelay $0x3  }
0x37: {  	[smem:$0x3FBA] =	sst s10  }
0x38: {  	s10 =	sld [smem:$0x3FBB]  }
0x39: {  	_ = 	snop;
	(pc) =	sbr.ind lr, $3  }
0x3a: {  	_ = 	snop  }
0x3b: {  	_ = 	snop  }
0x3c: {  	p2 =	seq.s32 s10, $0x1;
	s10 =	sld [smem:$0x3FBA]  }
0x3d: {  	_ =	shalt  }
0x3e: {  	_ =	shalt  }
0x3f: {  	_ =	shalt  }
0x40: {  	_ =	shalt  }
0x41: {  	_ =	shalt  }
0x42: {  	_ =	shalt  }
0x43: {  	_ =	shalt  }
0x44: {  	_ =	shalt  }
0x45: {  	_ =	shalt  }
0x46: {  	_ =	shalt  }
0x47: {  	_ =	shalt  }
0x48: {  	_ =	shalt  }
0x49: {  	_ =	shalt  }
0x4a: {  	_ =	shalt  }
0x4b: {  	_ =	shalt  }
0x4c: {  	_ =	shalt  }
0x4d: {  	_ =	shalt  }
0x4e: {  	_ =	shalt  }
0x4f: {  	_ =	shalt  }
0x50: {  	_ =	shalt  }
0x51: {  	_ =	shalt  }
0x52: {  	_ =	shalt  }
0x53: {  	_ =	shalt  }
0x54: {  	_ =	shalt  }
0x55: {  	_ =	shalt  }
0x56: {  	_ =	shalt  }
0x57: {  	_ =	shalt  }
0x58: {  	_ =	shalt  }
0x59: {  	_ =	shalt  }
0x5a: {  	_ =	shalt  }
0x5b: {  	_ =	shalt  }
0x5c: {  	_ =	shalt  }
0x5d: {  	_ =	shalt  }
0x5e: {  	_ =	shalt  }
0x5f: {  	_ =	shalt  }
0x60: {  	_ =	shalt  }
0x61: {  	_ =	shalt  }
0x62: {  	_ =	shalt  }
0x63: {  	_ =	shalt  }
0x64: {  	_ =	shalt  }
0x65: {  	_ =	shalt  }
0x66: {  	_ =	shalt  }
0x67: {  	_ =	shalt  }
0x68: {  	_ =	shalt  }
0x69: {  	_ =	shalt  }
0x6a: {  	_ =	shalt  }
0x6b: {  	_ =	shalt  }
0x6c: {  	_ =	shalt  }
0x6d: {  	_ =	shalt  }
0x6e: {  	_ =	shalt  }
0x6f: {  	_ =	shalt  }
0x70: {  	_ =	shalt  }
0x71: {  	_ =	shalt  }
0x72: {  	_ =	shalt  }
0x73: {  	_ =	shalt  }
0x74: {  	_ =	shalt  }
0x75: {  	_ =	shalt  }
0x76: {  	_ =	shalt  }
0x77: {  	_ =	shalt  }
0x78: {  	_ =	shalt  }
0x79: {  	_ =	shalt  }
0x7a: {  	_ =	shalt  }
0x7b: {  	_ =	shalt  }
0x7c: {  	_ =	shalt  }
0x7d: {  	_ =	shalt  }
0x7e: {  	_ =	shalt  }
0x7f: {  	_ =	shalt  }
0x80: {  	_ =	shalt  }
0x81: {  	_ =	shalt  }
0x82: {  	_ =	shalt  }
0x83: {  	_ =	shalt  }
0x84: {  	_ =	shalt  }
0x85: {  	_ =	shalt  }
0x86: {  	_ =	shalt  }
0x87: {  	_ =	shalt  }
.Lfunc_end0:
.L_simem_size_0:
called_computation.1_lowered:
.L_overlay_start_0:
0x88: {  	s2 =	sld [smem:$0x3FD9]  }
0x89: {  	s3 =	sld [smem:$0x3FFE];
	_ =	sdelay $0x1  }
0x8a: {  	s1 =	srdreg.scid  }
0x8b: {  	s0 =	sand.u32 $0x1, s1  }
0x8c: {  	s14 =	sshll.u32 s0, $0xA;
	s2 =	sadd.s32 s3, s2  }
0x8d: {  	s2 =	sadd.s32 s2, s14  }
0x8e: {  	[smem:$0x3FC6] =	sst s2  }
0x8f: {  	_ = 	snop  }
0x90: {  	s2 =	sld [smem:$0x3FD0];
	_ =	sdelay $0x2  }
0x91: {  	s15 =	simm.s32 $0xB;
	s4 =	simm.s32 $0x10  }
0x92: {  	[smem:s4], [sflag:s15] =	dma.local [hbm:s2], $0x1  }
0x93: {  	_ =	swait.eq [sflag:s15], $0x1  }
0x94: {  	[sflag:s15] =	ssyncset.done $0x0  }
0x95: {  	[sflag:s15] =	ssyncadd.s32 $0xFFFFFFFF  }
0x96: {  	s16 =	sld [smem:$0x10];
	(tm) =	ssettm $0x1  }
0x97: {  	s17 =	sld [smem:$0x3FFB];
	_ =	sdelay $0x3  }
0x98: {  	_ =	strace s17  }
0x99: {  	s3 =	sld [smem:$0x3FFC];
	_ =	sdelay $0x3  }
0x9a: {  	_ =	strace s3  }
0x9b: {  	s3 =	sld [smem:$0x3FFD];
	_ =	sdelay $0x3  }
0x9c: {  	_ =	strace s3  }
0x9d: {  	_ =	strace $0x8FFFFFFF  }
0x9e: {  	s18 =	sld [smem:$0x3FDB];
	_ =	sdelay $0x1  }
0x9f: {  	s19 =	simm.s32 $_scs_section_size  }
0xa0: {  	s5 =	simm.s32 $_size__tile_overlayer_lowered;
	s6 =	simm.s32 $_tile_overlayer_lowered  }
0xa1: {  	s22 =	simm.s32 $0x1BFF;
	s21 =	sshll.u32 s6, $0x1;
	s3 =	sadd.s32 s19, s18  }
0xa2: {  	s7 =	simm.s32 $0x0;
	s20 =	sshll.u32 s5, $0x1;
	s5 =	sadd.s32 s21, s3  }
0xa3: {  	[timem:s7], [sflag:s22] =	dma.local [hbm:s5], s20  }
0xa4: {  	_ =	swait.ge [sflag:s22], s20  }
0xa5: {  	s4 =	ssub.s32 $0x0, s20;
	[sflag:s22] =	ssyncset.done $0x0  }
0xa6: {  	[sflag:s22] =	ssyncadd.s32 s4;
	_ =	sdelay $0x1  }
0xa7: {  	s23 =	simm.s32 $0x1B8B  }
0xa8: {  	_ =	swait.ge [sflag:s23], $0x1  }
0xa9: {  	[sflag:s23] =	ssyncset.done $0x0  }
0xaa: {  	s25 =	simm.s32 $0x1B8E;
	s24 =	sld [smem:$0x3FFE];
	[sflag:s23] =	ssyncadd.s32 $0xFFFFFFFF  }
0xab: {  	s26 =	simm.s32 $execute0_lowered;
	[smem:$0x3FD2] =	sst s25  }
0xac: {  	s5 =	sshll.u32 s26, $0x1;
	_ =	strace $0x80000046;
	[dreg:$0x1] =	wrdreg $0xFFFFFFFF  }
0xad: {  	s28 =	simm.s32 $_size_execute0_lowered;
	s3 =	sadd.s32 s3, s5;
	[dreg:$0x0] =	wrdreg $0x0  }
0xae: {  	s5 =	sshll.u32 s28, $0x1;
	[dreg:$0x2] =	wrdreg s3  }
0xaf: {  	[dreg:$0x3] =	wrdreg s5  }
0xb0: {  	[dreg:$0x4] =	wrdreg $0xC0  }
0xb1: {  	_ =	task [dreg:s7], $0x5FFFF  }
0xb2: {  	[dreg:$0x1] =	wrdreg $0xFFFFFFFF  }
0xb3: {  	[dreg:$0x0] =	wrdreg $0x60  }
0xb4: {  	[dreg:$0x2] =	wrdreg s16  }
0xb5: {  	[dreg:$0x3] =	wrdreg s24  }
0xb6: {  	[dreg:$0x4] =	wrdreg $0xA  }
0xb7: {  	_ =	task.clear_ibuf [dreg:s7], $0x5FFFF;
	_ =	strace $0x90000046  }
0xb8: {  	s29 =	simm.s32 $0xA;
	_ =	strace $0x80000048  }
0xb9: {  	_ =	swait.ge [sflag:s29], $0x1  }
0xba: {  	[sflag:s29] =	ssyncadd.s32 $0xFFFFFFFF  }
0xbb: {  	_ =	strace $0x90000048  }
0xbc: {  	_ =	sfence  }
0xbd: {  	s30 =	sld [smem:$0x0];
	_ =	sdelay $0x2  }
0xbe: {  	s31 =	sshll.u32 s1, $0xD;
	s1 =	sshrl.u32 s1, $0x2  }
0xbf: {  	s3 =	sand.u32 $0x4000, s31;
	s1 =	sadd.s32 s1, s30  }
0xc0: {  	s0 =	sor.u32 s3, s0;
	s1 =	sshll.u32 s1, $0x11  }
0xc1: {  	s0 =	sor.u32 s1, s0  }
0xc2: {  	s0 =	sadd.s32 $0x8F2B, s0  }
0xc3: {  	[sflag:s0] =	ssyncadd.remote.s32 $0x1  }
0xc4: {  	_ =	sfence.sel $0xFFFF  }
0xc5: {  	[dreg:$0x0] =	wrdreg $0xFFFFFFFF;
	(pc) =	sbr.abs _section_cstart, $3  }
0xc6: {  	[dreg:$0x1] =	wrdreg $0xFFFFFFFF  }
0xc7: {  	_ =	task.clear_ibuf [dreg:s7], $0x2FFFF;
	_ =	strace $0x9FFFFFFF  }
0xc8: {  	(tm) =	ssettm $0x7FFFFFFF  }
0xc9: {  	_ =	shalt  }
tec
execute0_lowered:
.L_overlay_start_1:
0x0: {  	(tag) =	ssettag $0x1  }
0x1: {  	s1 =	srdreg.scid  }
0x2: {  	s0 =	stileid.u32;
	s6 =	sand.u32 $0x1, s1  }
0x3: {  	s2 =	rddreg [dreg:$0x0];
	s30 =	sshll.u32 s0, $0x8;
	s3 =	sshll.u32 s6, $0x7  }
0x4: {  	s8 =	rddreg [dreg:$0x1];
	s7 =	simm.s32 $0x1;
	s9 =	sor.u32 s3, s30  }
0x5: {  	s1 =	rddreg [dreg:$0x2];
	s3 =	simm.s32 $0x0;
	s4 =	sshrl.u32 s9, $0x3  }
0x6: {  	s10 =	ssub.s32 $0x2, s6;
	[smem:$0x7FF] =	sst s3;
	s4 =	sadd.s32 s4, s8  }
0x7: {  	_ =	strace $0x80000047;
	s5 =	sadd.s32 $0x800, s4;
	s4 =	simm.s32 $0x2  }
0x8: {  	[tilespmem:s3], [sflag:$0x2] =	stream.linear.gather [hbm4b:s5+s3], $0x80, $0x38;
	[tilespmem:$0x1080] =	vst v63  }
0x9: {  	s6 =	simm.s32 $0x80;
	s11 =	sshrl.u32 s10, $0x1;
	_ =	swait.ge [sflag:s4], $0x80  }
0xa: {  	s9 =	sshll.u32 s9, $0x2;
	s31 =	ssub.s32 s10, s11;
	[sflag:s4] =	ssyncset.done $0x0  }
0xb: {  	s8 =	sadd.s32 s9, s8;
	s9 =	smax.u32 s31, $0x1;
	[sflag:s4] =	ssyncadd.s32 $0xFFFFFF80  }
0xc: {  	[tilespmem:s6], [sflag:$0x1] =	stream.indirect.gather [hbm4b:s2+s6], $0x20, s3, s6, $0xb8;
	[tilespmem:$0x1080] =	vst v63  }
0xd: {  	p0 =	sne.s32 s9, $0x1;
	_ =	swait.ge [sflag:s7], $0x1000  }
.Ltmp0:
0xe: {  	[sflag:s7] =	ssyncset.done $0x0;
	(pc) =	sbr.rel @!p0 .LBB2_2-.Ltmp0, $4  }
0xf: {  	s8 =	sadd.s32 $0xA00, s8;
	[sflag:s7] =	ssyncadd.s32 $0xFFFFF000  }
0x10: {  	[hbm4b:s8+s3] =	stream.linear.scatter [tilespmem:s6], [sflag:$0x2], $0x1000, $0x38;
	[tilespmem:$0x1080] =	vst v63  }
0x11: {  	_ =	swait.ge [sflag:s4], $0x1000  }
0x12: {  	s9 =	sadd.s32 $0xFFFFFFFF, s9;
	[sflag:s4] =	ssyncset.done $0x0  }
.LBB2_1:
0x13: {  	p0 =	sne.s32 s9, $0x1;
	s9 =	sadd.s32 $0xFFFFFFFF, s9;
	[sflag:s4] =	ssyncadd.s32 $0xFFFFF000  }
0x14: {  	[tilespmem:s3], [sflag:$0x2] =	stream.linear.gather [hbm4b:s5+s3], $0x80, $0x38;
	[tilespmem:$0x1080] =	vst v63  }
0x15: {  	_ =	swait.ge [sflag:s4], $0x80  }
0x16: {  	[sflag:s4] =	ssyncset.done $0x0  }
0x17: {  	[sflag:s4] =	ssyncadd.s32 $0xFFFFFF80  }
0x18: {  	[tilespmem:s6], [sflag:$0x1] =	stream.indirect.gather [hbm4b:s2+s6], $0x20, s3, s6, $0xb8;
	[tilespmem:$0x1080] =	vst v63  }
0x19: {  	_ =	swait.ge [sflag:s7], $0x1000  }
.Ltmp1:
0x1a: {  	[sflag:s7] =	ssyncset.done $0x0;
	(pc) =	sbr.rel @p0 .LBB2_1-.Ltmp1, $4  }
0x1b: {  	[sflag:s7] =	ssyncadd.s32 $0xFFFFF000  }
0x1c: {  	[hbm4b:s8+s3] =	stream.linear.scatter [tilespmem:s6], [sflag:$0x2], $0x1000, $0x38;
	[tilespmem:$0x1080] =	vst v63  }
0x1d: {  	_ =	swait.ge [sflag:s4], $0x1000  }
0x1e: {  	[sflag:s4] =	ssyncset.done $0x0  }
.LBB2_2:
0x1f: {  	[sflag:s4] =	ssyncadd.s32 $0xFFFFF000  }
0x20: {  	_ =	sfence.sel $0x180000  }
0x21: {  	[bflag:$0x0] =	sbarrier.arrive $0xFFFF  }
0x22: {  	p0 =	sne.s32 s0, $0x0;
	_ =	strace $0x90000047  }
0x23: {  	s0 =	sadd.s32 @!p0 $0x100000, s1;
	[bflag:$0x2] =	sbarrier.arrive $0xFFFF  }
0x24: {  	[sflag:s0] =	ssyncadd.tile.s32 @!p0 $0x1;
	_ =	shalt  }
.Lfunc_end2:
_tile_overlayer_lowered:
.L_overlay_start_2:
0x25: {  	(tag) =	ssettag $0x2  }
0x26: {  	s0 =	rddreg [dreg:$0x0];
	s2 =	stileid.u32  }
0x27: {  	s1 =	rddreg [dreg:$0x1];
	p0 =	sne.s32 s2, $0x0  }
0x28: {  	s3 =	rddreg [dreg:$0x2];
	[bflag:$0x3] =	sbarrier.arrive $0xFFFF;
	s2 =	simm.s32 @!p0 $0x1C02  }
0x29: {  	[timem:s3], [sflag:s2] =	dma.local @!p0 [hbm:s0], s1  }
0x2a: {  	s0 =	simm.s32 @!p0 $0x2  }
0x2b: {  	_ =	swait.ge @!p0 [sflag:s0], s1  }
0x2c: {  	s1 =	ssub.s32 @!p0 $0x0, s1;
	[sflag:s0] =	ssyncset.done @!p0 $0x0  }
0x2d: {  	[sflag:s0] =	ssyncadd.s32 @!p0 s1  }
0x2e: {  	[bflag:$0x3] =	sbarrier.arrive $0xFFFF  }
0x2f: {  	_ =	shalt  }

</sc_bundles>
